<compile_context>
chip_gen: v7x
topology: tpu7x:2x2x1
jax: 0.10.2.dev20260603
libtpu: 0.0.44.dev20260713+nightly
codegen_flags: <defaults>
</compile_context>

<pallas_src>
import functools

import jax
import jax.numpy as jnp
from jax import lax
from jax.experimental import pallas as pl
from jax.experimental.pallas import tpu as pltpu
from jax.experimental.pallas import tpu_sc as plsc

_LANES = 16
_TILES = 16
_TOTAL = 350000
_CH = 21872
_VECS = _CH // _LANES
_H1 = 10944
_H1V = _H1 // _LANES
_H2 = _CH - _H1
_H2V = _H2 // _LANES
_UNROLL = 8
_TAIL_OFF = _TILES * _CH
_TAIL = _TOTAL - _TAIL_OFF
_TAIL_VECS = _TAIL // _LANES


def _acc_range(buf_v, base_vec, nvecs, accs):
    steps = nvecs // _UNROLL
    left = nvecs - steps * _UNROLL

    def step(i, accs):
        base = (base_vec + i * _UNROLL) * _LANES
        new = []
        for k, a in enumerate(accs):
            a = a + buf_v[pl.ds(base + (2 * k) * _LANES, _LANES)]
            a = a + buf_v[pl.ds(base + (2 * k + 1) * _LANES, _LANES)]
            new.append(a)
        return tuple(new)

    accs = lax.fori_loop(0, steps, step, accs)
    a0, a1, a2, a3 = accs
    lo = (base_vec + steps * _UNROLL) * _LANES
    for k in range(left):
        a0 = a0 + buf_v[pl.ds(lo + k * _LANES, _LANES)]
    return (a0, a1, a2, a3)


def _sc_sum_body(x_hbm, o_hbm, p_hbm, buf_v, tail_v, part_v, allp_v, sem1, sem2):
    sid = lax.axis_index("s")
    base = sid * _CH
    c1 = pltpu.async_copy(x_hbm.at[pl.ds(base, _H1)], buf_v.at[pl.ds(0, _H1)], sem1)
    c2 = pltpu.async_copy(
        x_hbm.at[pl.ds(base + _H1, _H2)], buf_v.at[pl.ds(_H1, _H2)], sem2
    )

    zero = jnp.zeros((_LANES,), jnp.float32)
    c1.wait()
    accs = _acc_range(buf_v, 0, _H1V, (zero, zero, zero, zero))
    c2.wait()
    a0, a1, a2, a3 = _acc_range(buf_v, _H1V, _H2V, accs)
    acc = (a0 + a1) + (a2 + a3)
    part_v[...] = acc

    @pl.when(sid == _TILES - 1)
    def _():
        pltpu.sync_copy(x_hbm.at[pl.ds(_TAIL_OFF, _TAIL)], tail_v)
        t = part_v[...]
        for j in range(_TAIL_VECS):
            t = t + tail_v[pl.ds(j * _LANES, _LANES)]
        part_v[...] = t

    pltpu.sync_copy(part_v, p_hbm.at[sid])
    plsc.subcore_barrier()

    @pl.when(sid == 0)
    def _():
        pltpu.sync_copy(p_hbm, allp_v)
        acc2 = allp_v[0, :]
        for t in range(1, _TILES):
            acc2 = acc2 + allp_v[t, :]
        total = acc2[0]
        for i in range(1, _LANES):
            total = total + acc2[i]
        part_v[...] = jnp.full((_LANES,), total, jnp.float32)
        pltpu.sync_copy(part_v.at[pl.ds(0, 1)], o_hbm)


_sc_sum = functools.partial(
    pl.kernel,
    mesh=plsc.VectorSubcoreMesh(
        core_axis_name="c", subcore_axis_name="s", num_cores=1
    ),
    out_type=(
        jax.ShapeDtypeStruct((1,), jnp.float32),
        jax.ShapeDtypeStruct((_TILES, _LANES), jnp.float32),
    ),
    scratch_types=[
        pltpu.VMEM((_CH,), jnp.float32),
        pltpu.VMEM((_TAIL,), jnp.float32),
        pltpu.VMEM((_LANES,), jnp.float32),
        pltpu.VMEM((_TILES, _LANES), jnp.float32),
        pltpu.SemaphoreType.DMA,
        pltpu.SemaphoreType.DMA,
    ],
)(_sc_sum_body)


def kernel(edge_src, edge_dst, edge_vec, minimal_basis):
    out, _ = _sc_sum(minimal_basis.reshape(-1))
    return out

# --- scband reference (transcript-rebuilt; emitter-appended) ---
"""Pipeline reference for scband-tsbarrier-model-40836549050528 (READ-ONLY COPY).

The authoritative reference and input builder live on the scoring server;
editing this copy changes nothing except your own understanding.
"""

import jax, jax.numpy as jnp
import numpy as np

MAX_RADIUS = 5.0
NUM_BASIS = 128
N_NODES = 10000
N_EDGES = 640000
MINIMAL_BASIS_SIZE = 1 + 9 + 25


def soft_unit_step(x):
    # e3nn.math.soft_unit_step: exp(-1/x) for x > 0, else 0
    safe_x = jnp.where(x > 0.0, x, 1.0)
    return jnp.where(x > 0.0, jnp.exp(-1.0 / safe_x), 0.0)


def soft_one_hot_linspace_smooth_finite(x, start, end, number):
    # e3nn soft_one_hot_linspace with basis='smooth_finite', cutoff=True
    values = jnp.linspace(start, end, number + 2, dtype=x.dtype)
    step = values[1] - values[0]
    values = values[1:-1]
    diff = (x[..., None] - values) / step
    return 1.14136 * jnp.exp(jnp.asarray(2.0, dtype=x.dtype)) * soft_unit_step(diff + 1.0) * soft_unit_step(1.0 - diff)


def setup_inputs(seed: int = 0) -> dict:
    key = jax.random.key(seed)
    k1, k2, k3, k4 = jax.random.split(key, 4)
    edge_src = jax.random.randint(k1, (N_EDGES,), 0, N_NODES, dtype=jnp.int32)
    edge_dst = jax.random.randint(k2, (N_EDGES,), 0, N_NODES, dtype=jnp.int32)
    edge_vec = jax.random.normal(k3, (N_EDGES, 3), dtype=jnp.float32)
    minimal_basis = jax.random.normal(k4, (N_NODES, MINIMAL_BASIS_SIZE), dtype=jnp.float32)
    return {"edge_src": edge_src, "edge_dst": edge_dst, "edge_vec": edge_vec, "minimal_basis": minimal_basis}


def reference(edge_src, edge_dst, edge_vec, minimal_basis):
    # Faithful translation of TSBarrierModel.forward for one precomputed graph:
    # the torch forward computes the radial edge embedding
    #   soft_one_hot_linspace(|edge_vec|, 0, max_radius, num_basis, basis='smooth_finite', cutoff=True) * num_basis**0.5
    # and then appends input_features.sum() to the output vector.
    edge_norm = jnp.linalg.norm(edge_vec, axis=1)
    embedding = soft_one_hot_linspace_smooth_finite(edge_norm, 0.0, MAX_RADIUS, NUM_BASIS) * (NUM_BASIS ** 0.5)
    # embedding is computed but unused in the original forward; keep it live
    # with an exact-zero contribution so the compute workload matches.
    out = jnp.stack([minimal_basis.sum() + 0.0 * embedding.sum()])
    return out

if __name__ == "__main__":
    import jax
    _d = setup_inputs()
    print(jax.jit(kernel)(*tuple(_d.values())))

</pallas_src>

<mosaic_0001>
#map = affine_map<(d0, d1) -> (0)>
#map1 = affine_map<(d0, d1) -> (0, 0)>
module attributes {stable_mosaic.version = 14 : i64} {
  func.func @_sc_sum_body(%arg0: i32, %arg1: i32, %arg2: memref<350000xf32, #tpu.memory_space<hbm>>, %arg3: memref<1xf32, #tpu.memory_space<hbm>>, %arg4: memref<16x16xf32, #tpu.memory_space<hbm>>, %arg5: memref<21872xf32, #tpu.memory_space<vmem>>, %arg6: memref<48xf32, #tpu.memory_space<vmem>>, %arg7: memref<16xf32, #tpu.memory_space<vmem>>, %arg8: memref<16x16xf32, #tpu.memory_space<vmem>>, %arg9: memref<!tpu.dma_semaphore, #tpu.memory_space<semaphore_mem>>, %arg10: memref<!tpu.dma_semaphore, #tpu.memory_space<semaphore_mem>>) attributes {dimension_semantics = [#tpu.dimension_semantics<core_parallel>, #tpu.dimension_semantics<subcore_parallel>], iteration_bounds = array<i64: 1, 16>, scalar_prefetch = 0 : i64, scratch_operands = 6 : i64, tpu.core_type = #tpu.core_type<sc_vector_subcore>, window_params = [{transform_indices = #map}, {transform_indices = #map}, {transform_indices = #map1}]} {
    %mul3A = arith.constant 21872 : i32
    %mul3A_0 = arith.muli %arg1, %mul3A : i32
    %dma_start3A = arith.constant 0 : i32
    %dma_start3A_1 = tpu.memref_slice %arg5[%dma_start3A] : memref<21872xf32, #tpu.memory_space<vmem>> -> memref<10944xf32, #tpu.memory_space<vmem>>
    %dma_start3A_2 = tpu.memref_slice %arg2[%mul3A_0] : memref<350000xf32, #tpu.memory_space<hbm>> -> memref<10944xf32, #tpu.memory_space<hbm>>
    %dma_start3A_3 = arith.constant 0 : i32
    %dma_start3A_4 = tpu.memref_slice %arg5[%dma_start3A_3] : memref<21872xf32, #tpu.memory_space<vmem>> -> memref<10944xf32, #tpu.memory_space<vmem>>
    %dma_start3A_5 = tpu.memref_slice %arg2[%mul3A_0] : memref<350000xf32, #tpu.memory_space<hbm>> -> memref<10944xf32, #tpu.memory_space<hbm>>
    tpu.enqueue_dma source(%dma_start3A_5 : memref<10944xf32, #tpu.memory_space<hbm>>) target(%dma_start3A_4 : memref<10944xf32, #tpu.memory_space<vmem>>) target_semaphore(%arg9 : memref<!tpu.dma_semaphore, #tpu.memory_space<semaphore_mem>>)
    %add3A = arith.constant 10944 : i32
    %add3A_6 = arith.addi %mul3A_0, %add3A : i32
    %dma_start3A_7 = arith.constant 10944 : i32
    %dma_start3A_8 = tpu.memref_slice %arg5[%dma_start3A_7] : memref<21872xf32, #tpu.memory_space<vmem>> -> memref<10928xf32, #tpu.memory_space<vmem>>
    %dma_start3A_9 = tpu.memref_slice %arg2[%add3A_6] : memref<350000xf32, #tpu.memory_space<hbm>> -> memref<10928xf32, #tpu.memory_space<hbm>>
    %dma_start3A_10 = arith.constant 10944 : i32
    %dma_start3A_11 = tpu.memref_slice %arg5[%dma_start3A_10] : memref<21872xf32, #tpu.memory_space<vmem>> -> memref<10928xf32, #tpu.memory_space<vmem>>
    %dma_start3A_12 = tpu.memref_slice %arg2[%add3A_6] : memref<350000xf32, #tpu.memory_space<hbm>> -> memref<10928xf32, #tpu.memory_space<hbm>>
    tpu.enqueue_dma source(%dma_start3A_12 : memref<10928xf32, #tpu.memory_space<hbm>>) target(%dma_start3A_11 : memref<10928xf32, #tpu.memory_space<vmem>>) target_semaphore(%arg10 : memref<!tpu.dma_semaphore, #tpu.memory_space<semaphore_mem>>)
    %broadcast_in_dim3A = arith.constant 0.000000e+00 : f32
    %broadcast_in_dim3A_13 = vector.broadcast %broadcast_in_dim3A : f32 to vector<16xf32>
    %dma_wait3A = arith.constant 0 : i32
    %dma_wait3A_14 = tpu.memref_slice %arg5[%dma_wait3A] : memref<21872xf32, #tpu.memory_space<vmem>> -> memref<10944xf32, #tpu.memory_space<vmem>>
    %dma_wait3A_15 = tpu.memref_slice %arg2[%mul3A_0] : memref<350000xf32, #tpu.memory_space<hbm>> -> memref<10944xf32, #tpu.memory_space<hbm>>
    %dma_wait3A_16 = arith.constant 0 : i32
    %dma_wait3A_17 = tpu.memref_slice %arg5[%dma_wait3A_16] : memref<21872xf32, #tpu.memory_space<vmem>> -> memref<10944xf32, #tpu.memory_space<vmem>>
    %dma_wait3A_18 = tpu.memref_slice %arg2[%mul3A_0] : memref<350000xf32, #tpu.memory_space<hbm>> -> memref<10944xf32, #tpu.memory_space<hbm>>
    tpu.wait_dma2 semaphore(%arg9 : memref<!tpu.dma_semaphore, #tpu.memory_space<semaphore_mem>>) src(%dma_wait3A_18 : memref<10944xf32, #tpu.memory_space<hbm>>) dst(%dma_wait3A_17 : memref<10944xf32, #tpu.memory_space<vmem>>)
    %scan3A = arith.constant 0 : i32
    %scan3A_19 = arith.constant 85 : i32
    %scan3A_20 = arith.addi %scan3A, %scan3A_19 : i32
    %scan3A_21 = arith.constant 1 : i32
    %scan3A_22:4 = scf.for %scan3A_76 = %scan3A to %scan3A_20 step %scan3A_21 iter_args(%scan3A_77 = %broadcast_in_dim3A_13, %scan3A_78 = %broadcast_in_dim3A_13, %scan3A_79 = %broadcast_in_dim3A_13, %scan3A_80 = %broadcast_in_dim3A_13) -> (vector<16xf32>, vector<16xf32>, vector<16xf32>, vector<16xf32>)  : i32 {
      %mul3A_81 = arith.constant 8 : i32
      %mul3A_82 = arith.muli %scan3A_76, %mul3A_81 : i32
      %add3A_83 = arith.constant 0 : i32
      %add3A_84 = arith.addi %add3A_83, %mul3A_82 : i32
      %mul3A_85 = arith.constant 16 : i32
      %mul3A_86 = arith.muli %add3A_84, %mul3A_85 : i32
      %add3A_87 = arith.constant 0 : i32
      %add3A_88 = arith.addi %mul3A_86, %add3A_87 : i32
      %get3A_89 = arith.index_cast %add3A_88 : i32 to index
      %get3A_90 = tpu.vector_load %arg5[%get3A_89] {strides = array<i32>} : memref<21872xf32, #tpu.memory_space<vmem>>, vector<16xf32>,
      %get3A_91 = vector.shape_cast %get3A_90 : vector<16xf32> to vector<16xf32>
      %add3A_92 = arith.addf %scan3A_77, %get3A_91 : vector<16xf32>
      %add3A_93 = arith.constant 16 : i32
      %add3A_94 = arith.addi %mul3A_86, %add3A_93 : i32
      %get3A_95 = arith.index_cast %add3A_94 : i32 to index
      %get3A_96 = tpu.vector_load %arg5[%get3A_95] {strides = array<i32>} : memref<21872xf32, #tpu.memory_space<vmem>>, vector<16xf32>,
      %get3A_97 = vector.shape_cast %get3A_96 : vector<16xf32> to vector<16xf32>
      %add3A_98 = arith.addf %add3A_92, %get3A_97 : vector<16xf32>
      %add3A_99 = arith.constant 32 : i32
      %add3A_100 = arith.addi %mul3A_86, %add3A_99 : i32
      %get3A_101 = arith.index_cast %add3A_100 : i32 to index
      %get3A_102 = tpu.vector_load %arg5[%get3A_101] {strides = array<i32>} : memref<21872xf32, #tpu.memory_space<vmem>>, vector<16xf32>,
      %get3A_103 = vector.shape_cast %get3A_102 : vector<16xf32> to vector<16xf32>
      %add3A_104 = arith.addf %scan3A_78, %get3A_103 : vector<16xf32>
      %add3A_105 = arith.constant 48 : i32
      %add3A_106 = arith.addi %mul3A_86, %add3A_105 : i32
      %get3A_107 = arith.index_cast %add3A_106 : i32 to index
      %get3A_108 = tpu.vector_load %arg5[%get3A_107] {strides = array<i32>} : memref<21872xf32, #tpu.memory_space<vmem>>, vector<16xf32>,
      %get3A_109 = vector.shape_cast %get3A_108 : vector<16xf32> to vector<16xf32>
      %add3A_110 = arith.addf %add3A_104, %get3A_109 : vector<16xf32>
      %add3A_111 = arith.constant 64 : i32
      %add3A_112 = arith.addi %mul3A_86, %add3A_111 : i32
      %get3A_113 = arith.index_cast %add3A_112 : i32 to index
      %get3A_114 = tpu.vector_load %arg5[%get3A_113] {strides = array<i32>} : memref<21872xf32, #tpu.memory_space<vmem>>, vector<16xf32>,
      %get3A_115 = vector.shape_cast %get3A_114 : vector<16xf32> to vector<16xf32>
      %add3A_116 = arith.addf %scan3A_79, %get3A_115 : vector<16xf32>
      %add3A_117 = arith.constant 80 : i32
      %add3A_118 = arith.addi %mul3A_86, %add3A_117 : i32
      %get3A_119 = arith.index_cast %add3A_118 : i32 to index
      %get3A_120 = tpu.vector_load %arg5[%get3A_119] {strides = array<i32>} : memref<21872xf32, #tpu.memory_space<vmem>>, vector<16xf32>,
      %get3A_121 = vector.shape_cast %get3A_120 : vector<16xf32> to vector<16xf32>
      %add3A_122 = arith.addf %add3A_116, %get3A_121 : vector<16xf32>
      %add3A_123 = arith.constant 96 : i32
      %add3A_124 = arith.addi %mul3A_86, %add3A_123 : i32
      %get3A_125 = arith.index_cast %add3A_124 : i32 to index
      %get3A_126 = tpu.vector_load %arg5[%get3A_125] {strides = array<i32>} : memref<21872xf32, #tpu.memory_space<vmem>>, vector<16xf32>,
      %get3A_127 = vector.shape_cast %get3A_126 : vector<16xf32> to vector<16xf32>
      %add3A_128 = arith.addf %scan3A_80, %get3A_127 : vector<16xf32>
      %add3A_129 = arith.constant 112 : i32
      %add3A_130 = arith.addi %mul3A_86, %add3A_129 : i32
      %get3A_131 = arith.index_cast %add3A_130 : i32 to index
      %get3A_132 = tpu.vector_load %arg5[%get3A_131] {strides = array<i32>} : memref<21872xf32, #tpu.memory_space<vmem>>, vector<16xf32>,
      %get3A_133 = vector.shape_cast %get3A_132 : vector<16xf32> to vector<16xf32>
      %add3A_134 = arith.addf %add3A_128, %get3A_133 : vector<16xf32>
      scf.yield %add3A_98, %add3A_110, %add3A_122, %add3A_134 : vector<16xf32>, vector<16xf32>, vector<16xf32>, vector<16xf32>
    }
    %scan3A_23 = arith.constant 85 : i32
    %get3A = arith.constant 10880 : index
    %get3A_24 = tpu.vector_load %arg5[%get3A] {strides = array<i32>} : memref<21872xf32, #tpu.memory_space<vmem>>, vector<16xf32>,
    %get3A_25 = vector.shape_cast %get3A_24 : vector<16xf32> to vector<16xf32>
    %add3A_26 = arith.addf %scan3A_22#0, %get3A_25 : vector<16xf32>
    %get3A_27 = arith.constant 10896 : index
    %get3A_28 = tpu.vector_load %arg5[%get3A_27] {strides = array<i32>} : memref<21872xf32, #tpu.memory_space<vmem>>, vector<16xf32>,
    %get3A_29 = vector.shape_cast %get3A_28 : vector<16xf32> to vector<16xf32>
    %add3A_30 = arith.addf %add3A_26, %get3A_29 : vector<16xf32>
    %get3A_31 = arith.constant 10912 : index
    %get3A_32 = tpu.vector_load %arg5[%get3A_31] {strides = array<i32>} : memref<21872xf32, #tpu.memory_space<vmem>>, vector<16xf32>,
    %get3A_33 = vector.shape_cast %get3A_32 : vector<16xf32> to vector<16xf32>
    %add3A_34 = arith.addf %add3A_30, %get3A_33 : vector<16xf32>
    %get3A_35 = arith.constant 10928 : index
    %get3A_36 = tpu.vector_load %arg5[%get3A_35] {strides = array<i32>} : memref<21872xf32, #tpu.memory_space<vmem>>, vector<16xf32>,
    %get3A_37 = vector.shape_cast %get3A_36 : vector<16xf32> to vector<16xf32>
    %add3A_38 = arith.addf %add3A_34, %get3A_37 : vector<16xf32>
    %dma_wait3A_39 = arith.constant 10944 : i32
    %dma_wait3A_40 = tpu.memref_slice %arg5[%dma_wait3A_39] : memref<21872xf32, #tpu.memory_space<vmem>> -> memref<10928xf32, #tpu.memory_space<vmem>>
    %dma_wait3A_41 = tpu.memref_slice %arg2[%add3A_6] : memref<350000xf32, #tpu.memory_space<hbm>> -> memref<10928xf32, #tpu.memory_space<hbm>>
    %dma_wait3A_42 = arith.constant 10944 : i32
    %dma_wait3A_43 = tpu.memref_slice %arg5[%dma_wait3A_42] : memref<21872xf32, #tpu.memory_space<vmem>> -> memref<10928xf32, #tpu.memory_space<vmem>>
    %dma_wait3A_44 = tpu.memref_slice %arg2[%add3A_6] : memref<350000xf32, #tpu.memory_space<hbm>> -> memref<10928xf32, #tpu.memory_space<hbm>>
    tpu.wait_dma2 semaphore(%arg10 : memref<!tpu.dma_semaphore, #tpu.memory_space<semaphore_mem>>) src(%dma_wait3A_44 : memref<10928xf32, #tpu.memory_space<hbm>>) dst(%dma_wait3A_43 : memref<10928xf32, #tpu.memory_space<vmem>>)
    %scan3A_45 = arith.constant 0 : i32
    %scan3A_46 = arith.constant 85 : i32
    %scan3A_47 = arith.addi %scan3A_45, %scan3A_46 : i32
    %scan3A_48 = arith.constant 1 : i32
    %scan3A_49:4 = scf.for %scan3A_76 = %scan3A_45 to %scan3A_47 step %scan3A_48 iter_args(%scan3A_77 = %add3A_38, %scan3A_78 = %scan3A_22#1, %scan3A_79 = %scan3A_22#2, %scan3A_80 = %scan3A_22#3) -> (vector<16xf32>, vector<16xf32>, vector<16xf32>, vector<16xf32>)  : i32 {
      %mul3A_81 = arith.constant 8 : i32
      %mul3A_82 = arith.muli %scan3A_76, %mul3A_81 : i32
      %add3A_83 = arith.constant 684 : i32
      %add3A_84 = arith.addi %add3A_83, %mul3A_82 : i32
      %mul3A_85 = arith.constant 16 : i32
      %mul3A_86 = arith.muli %add3A_84, %mul3A_85 : i32
      %add3A_87 = arith.constant 0 : i32
      %add3A_88 = arith.addi %mul3A_86, %add3A_87 : i32
      %get3A_89 = arith.index_cast %add3A_88 : i32 to index
      %get3A_90 = tpu.vector_load %arg5[%get3A_89] {strides = array<i32>} : memref<21872xf32, #tpu.memory_space<vmem>>, vector<16xf32>,
      %get3A_91 = vector.shape_cast %get3A_90 : vector<16xf32> to vector<16xf32>
      %add3A_92 = arith.addf %scan3A_77, %get3A_91 : vector<16xf32>
      %add3A_93 = arith.constant 16 : i32
      %add3A_94 = arith.addi %mul3A_86, %add3A_93 : i32
      %get3A_95 = arith.index_cast %add3A_94 : i32 to index
      %get3A_96 = tpu.vector_load %arg5[%get3A_95] {strides = array<i32>} : memref<21872xf32, #tpu.memory_space<vmem>>, vector<16xf32>,
      %get3A_97 = vector.shape_cast %get3A_96 : vector<16xf32> to vector<16xf32>
      %add3A_98 = arith.addf %add3A_92, %get3A_97 : vector<16xf32>
      %add3A_99 = arith.constant 32 : i32
      %add3A_100 = arith.addi %mul3A_86, %add3A_99 : i32
      %get3A_101 = arith.index_cast %add3A_100 : i32 to index
      %get3A_102 = tpu.vector_load %arg5[%get3A_101] {strides = array<i32>} : memref<21872xf32, #tpu.memory_space<vmem>>, vector<16xf32>,
      %get3A_103 = vector.shape_cast %get3A_102 : vector<16xf32> to vector<16xf32>
      %add3A_104 = arith.addf %scan3A_78, %get3A_103 : vector<16xf32>
      %add3A_105 = arith.constant 48 : i32
      %add3A_106 = arith.addi %mul3A_86, %add3A_105 : i32
      %get3A_107 = arith.index_cast %add3A_106 : i32 to index
      %get3A_108 = tpu.vector_load %arg5[%get3A_107] {strides = array<i32>} : memref<21872xf32, #tpu.memory_space<vmem>>, vector<16xf32>,
      %get3A_109 = vector.shape_cast %get3A_108 : vector<16xf32> to vector<16xf32>
      %add3A_110 = arith.addf %add3A_104, %get3A_109 : vector<16xf32>
      %add3A_111 = arith.constant 64 : i32
      %add3A_112 = arith.addi %mul3A_86, %add3A_111 : i32
      %get3A_113 = arith.index_cast %add3A_112 : i32 to index
      %get3A_114 = tpu.vector_load %arg5[%get3A_113] {strides = array<i32>} : memref<21872xf32, #tpu.memory_space<vmem>>, vector<16xf32>,
      %get3A_115 = vector.shape_cast %get3A_114 : vector<16xf32> to vector<16xf32>
      %add3A_116 = arith.addf %scan3A_79, %get3A_115 : vector<16xf32>
      %add3A_117 = arith.constant 80 : i32
      %add3A_118 = arith.addi %mul3A_86, %add3A_117 : i32
      %get3A_119 = arith.index_cast %add3A_118 : i32 to index
      %get3A_120 = tpu.vector_load %arg5[%get3A_119] {strides = array<i32>} : memref<21872xf32, #tpu.memory_space<vmem>>, vector<16xf32>,
      %get3A_121 = vector.shape_cast %get3A_120 : vector<16xf32> to vector<16xf32>
      %add3A_122 = arith.addf %add3A_116, %get3A_121 : vector<16xf32>
      %add3A_123 = arith.constant 96 : i32
      %add3A_124 = arith.addi %mul3A_86, %add3A_123 : i32
      %get3A_125 = arith.index_cast %add3A_124 : i32 to index
      %get3A_126 = tpu.vector_load %arg5[%get3A_125] {strides = array<i32>} : memref<21872xf32, #tpu.memory_space<vmem>>, vector<16xf32>,
      %get3A_127 = vector.shape_cast %get3A_126 : vector<16xf32> to vector<16xf32>
      %add3A_128 = arith.addf %scan3A_80, %get3A_127 : vector<16xf32>
      %add3A_129 = arith.constant 112 : i32
      %add3A_130 = arith.addi %mul3A_86, %add3A_129 : i32
      %get3A_131 = arith.index_cast %add3A_130 : i32 to index
      %get3A_132 = tpu.vector_load %arg5[%get3A_131] {strides = array<i32>} : memref<21872xf32, #tpu.memory_space<vmem>>, vector<16xf32>,
      %get3A_133 = vector.shape_cast %get3A_132 : vector<16xf32> to vector<16xf32>
      %add3A_134 = arith.addf %add3A_128, %get3A_133 : vector<16xf32>
      scf.yield %add3A_98, %add3A_110, %add3A_122, %add3A_134 : vector<16xf32>, vector<16xf32>, vector<16xf32>, vector<16xf32>
    }
    %scan3A_50 = arith.constant 85 : i32
    %get3A_51 = arith.constant 21824 : index
    %get3A_52 = tpu.vector_load %arg5[%get3A_51] {strides = array<i32>} : memref<21872xf32, #tpu.memory_space<vmem>>, vector<16xf32>,
    %get3A_53 = vector.shape_cast %get3A_52 : vector<16xf32> to vector<16xf32>
    %add3A_54 = arith.addf %scan3A_49#0, %get3A_53 : vector<16xf32>
    %get3A_55 = arith.constant 21840 : index
    %get3A_56 = tpu.vector_load %arg5[%get3A_55] {strides = array<i32>} : memref<21872xf32, #tpu.memory_space<vmem>>, vector<16xf32>,
    %get3A_57 = vector.shape_cast %get3A_56 : vector<16xf32> to vector<16xf32>
    %add3A_58 = arith.addf %add3A_54, %get3A_57 : vector<16xf32>
    %get3A_59 = arith.constant 21856 : index
    %get3A_60 = tpu.vector_load %arg5[%get3A_59] {strides = array<i32>} : memref<21872xf32, #tpu.memory_space<vmem>>, vector<16xf32>,
    %get3A_61 = vector.shape_cast %get3A_60 : vector<16xf32> to vector<16xf32>
    %add3A_62 = arith.addf %add3A_58, %get3A_61 : vector<16xf32>
    %add3A_63 = arith.addf %add3A_62, %scan3A_49#1 : vector<16xf32>
    %add3A_64 = arith.addf %scan3A_49#2, %scan3A_49#3 : vector<16xf32>
    %add3A_65 = arith.addf %add3A_63, %add3A_64 : vector<16xf32>
    %swap3A = arith.constant 0 : index
    %swap3A_66 = tpu.vector_load %arg7[%swap3A] {strides = array<i32>} : memref<16xf32, #tpu.memory_space<vmem>>, vector<16xf32>,
    %swap3A_67 = vector.shape_cast %swap3A_66 : vector<16xf32> to vector<16xf32>
    %swap3A_68 = vector.shape_cast %add3A_65 : vector<16xf32> to vector<16xf32>
    tpu.vector_store %arg7[%swap3A], %swap3A_68 {strides = array<i32>} : memref<16xf32, #tpu.memory_space<vmem>>, vector<16xf32>,
    %eq3A = arith.constant 15 : i32
    %eq3A_69 = arith.cmpi eq, %arg1, %eq3A : i32
    %convert_element_type3A = arith.extui %eq3A_69 : i1 to i32
    %cond3A = arith.constant 0 : i32
    %cond3A_70 = arith.cmpi ne, %convert_element_type3A, %cond3A : i32
    scf.if %cond3A_70 {
      "tpu.region"() ({
        %run_scoped3A = tpu.sem_alloc : memref<!tpu.dma_semaphore, #tpu.memory_space<semaphore_mem>>
        %dma_start3A_95 = arith.constant 349952 : i32
        %dma_start3A_96 = tpu.memref_slice %arg2[%dma_start3A_95] : memref<350000xf32, #tpu.memory_space<hbm>> -> memref<48xf32, #tpu.memory_space<hbm>>
        %dma_start3A_97 = arith.constant 349952 : i32
        %dma_start3A_98 = tpu.memref_slice %arg2[%dma_start3A_97] : memref<350000xf32, #tpu.memory_space<hbm>> -> memref<48xf32, #tpu.memory_space<hbm>>
        tpu.enqueue_dma source(%dma_start3A_98 : memref<48xf32, #tpu.memory_space<hbm>>) target(%arg6 : memref<48xf32, #tpu.memory_space<vmem>>) target_semaphore(%run_scoped3A : memref<!tpu.dma_semaphore, #tpu.memory_space<semaphore_mem>>)
        %dma_wait3A_99 = arith.constant 349952 : i32
        %dma_wait3A_100 = tpu.memref_slice %arg2[%dma_wait3A_99] : memref<350000xf32, #tpu.memory_space<hbm>> -> memref<48xf32, #tpu.memory_space<hbm>>
        %dma_wait3A_101 = arith.constant 349952 : i32
        %dma_wait3A_102 = tpu.memref_slice %arg2[%dma_wait3A_101] : memref<350000xf32, #tpu.memory_space<hbm>> -> memref<48xf32, #tpu.memory_space<hbm>>
        tpu.wait_dma2 semaphore(%run_scoped3A : memref<!tpu.dma_semaphore, #tpu.memory_space<semaphore_mem>>) src(%dma_wait3A_102 : memref<48xf32, #tpu.memory_space<hbm>>) dst(%arg6 : memref<48xf32, #tpu.memory_space<vmem>>)
        tpu.yield
      }) : () -> ()
      %get3A_76 = arith.constant 0 : index
      %get3A_77 = tpu.vector_load %arg7[%get3A_76] {strides = array<i32>} : memref<16xf32, #tpu.memory_space<vmem>>, vector<16xf32>,
      %get3A_78 = vector.shape_cast %get3A_77 : vector<16xf32> to vector<16xf32>
      %get3A_79 = arith.constant 0 : index
      %get3A_80 = tpu.vector_load %arg6[%get3A_79] {strides = array<i32>} : memref<48xf32, #tpu.memory_space<vmem>>, vector<16xf32>,
      %get3A_81 = vector.shape_cast %get3A_80 : vector<16xf32> to vector<16xf32>
      %add3A_82 = arith.addf %get3A_78, %get3A_81 : vector<16xf32>
      %get3A_83 = arith.constant 16 : index
      %get3A_84 = tpu.vector_load %arg6[%get3A_83] {strides = array<i32>} : memref<48xf32, #tpu.memory_space<vmem>>, vector<16xf32>,
      %get3A_85 = vector.shape_cast %get3A_84 : vector<16xf32> to vector<16xf32>
      %add3A_86 = arith.addf %add3A_82, %get3A_85 : vector<16xf32>
      %get3A_87 = arith.constant 32 : index
      %get3A_88 = tpu.vector_load %arg6[%get3A_87] {strides = array<i32>} : memref<48xf32, #tpu.memory_space<vmem>>, vector<16xf32>,
      %get3A_89 = vector.shape_cast %get3A_88 : vector<16xf32> to vector<16xf32>
      %add3A_90 = arith.addf %add3A_86, %get3A_89 : vector<16xf32>
      %swap3A_91 = arith.constant 0 : index
      %swap3A_92 = tpu.vector_load %arg7[%swap3A_91] {strides = array<i32>} : memref<16xf32, #tpu.memory_space<vmem>>, vector<16xf32>,
      %swap3A_93 = vector.shape_cast %swap3A_92 : vector<16xf32> to vector<16xf32>
      %swap3A_94 = vector.shape_cast %add3A_90 : vector<16xf32> to vector<16xf32>
      tpu.vector_store %arg7[%swap3A_91], %swap3A_94 {strides = array<i32>} : memref<16xf32, #tpu.memory_space<vmem>>, vector<16xf32>,
    } else {
    }
    "tpu.region"() ({
      %run_scoped3A = tpu.sem_alloc : memref<!tpu.dma_semaphore, #tpu.memory_space<semaphore_mem>>
      %dma_start3A_76 = arith.constant 0 : i32
      %dma_start3A_77 = tpu.memref_slice %arg4[%arg1, %dma_start3A_76] : memref<16x16xf32, #tpu.memory_space<hbm>> -> memref<1x16xf32, #tpu.memory_space<hbm>>
      %dma_start3A_78 = tpu.memref_squeeze %dma_start3A_77 : memref<1x16xf32, #tpu.memory_space<hbm>> -> memref<16xf32, #tpu.memory_space<hbm>>
      %dma_start3A_79 = arith.constant 0 : i32
      %dma_start3A_80 = tpu.memref_slice %arg4[%arg1, %dma_start3A_79] : memref<16x16xf32, #tpu.memory_space<hbm>> -> memref<1x16xf32, #tpu.memory_space<hbm>>
      %dma_start3A_81 = tpu.memref_squeeze %dma_start3A_80 : memref<1x16xf32, #tpu.memory_space<hbm>> -> memref<16xf32, #tpu.memory_space<hbm>>
      tpu.enqueue_dma source(%arg7 : memref<16xf32, #tpu.memory_space<vmem>>) target(%dma_start3A_81 : memref<16xf32, #tpu.memory_space<hbm>>) target_semaphore(%run_scoped3A : memref<!tpu.dma_semaphore, #tpu.memory_space<semaphore_mem>>)
      %dma_wait3A_82 = arith.constant 0 : i32
      %dma_wait3A_83 = tpu.memref_slice %arg4[%arg1, %dma_wait3A_82] : memref<16x16xf32, #tpu.memory_space<hbm>> -> memref<1x16xf32, #tpu.memory_space<hbm>>
      %dma_wait3A_84 = tpu.memref_squeeze %dma_wait3A_83 : memref<1x16xf32, #tpu.memory_space<hbm>> -> memref<16xf32, #tpu.memory_space<hbm>>
      %dma_wait3A_85 = arith.constant 0 : i32
      %dma_wait3A_86 = tpu.memref_slice %arg4[%arg1, %dma_wait3A_85] : memref<16x16xf32, #tpu.memory_space<hbm>> -> memref<1x16xf32, #tpu.memory_space<hbm>>
      %dma_wait3A_87 = tpu.memref_squeeze %dma_wait3A_86 : memref<1x16xf32, #tpu.memory_space<hbm>> -> memref<16xf32, #tpu.memory_space<hbm>>
      tpu.wait_dma2 semaphore(%run_scoped3A : memref<!tpu.dma_semaphore, #tpu.memory_space<semaphore_mem>>) src(%arg7 : memref<16xf32, #tpu.memory_space<vmem>>) dst(%dma_wait3A_87 : memref<16xf32, #tpu.memory_space<hbm>>)
      tpu.yield
    }) : () -> ()
    %barrier3A = arith.constant 0 : index
    tpu.barrier barrier_id(%barrier3A)
    %eq3A_71 = arith.constant 0 : i32
    %eq3A_72 = arith.cmpi eq, %arg1, %eq3A_71 : i32
    %convert_element_type3A_73 = arith.extui %eq3A_72 : i1 to i32
    %cond3A_74 = arith.constant 0 : i32
    %cond3A_75 = arith.cmpi ne, %convert_element_type3A_73, %cond3A_74 : i32
    scf.if %cond3A_75 {
      "tpu.region"() ({
        %run_scoped3A = tpu.sem_alloc : memref<!tpu.dma_semaphore, #tpu.memory_space<semaphore_mem>>
        tpu.enqueue_dma source(%arg4 : memref<16x16xf32, #tpu.memory_space<hbm>>) target(%arg8 : memref<16x16xf32, #tpu.memory_space<vmem>>) target_semaphore(%run_scoped3A : memref<!tpu.dma_semaphore, #tpu.memory_space<semaphore_mem>>)
        tpu.wait_dma2 semaphore(%run_scoped3A : memref<!tpu.dma_semaphore, #tpu.memory_space<semaphore_mem>>) src(%arg4 : memref<16x16xf32, #tpu.memory_space<hbm>>) dst(%arg8 : memref<16x16xf32, #tpu.memory_space<vmem>>)
        tpu.yield
      }) : () -> ()
      %get3A_76 = arith.constant 0 : i32
      %get3A_77 = arith.index_cast %get3A_76 : i32 to index
      %get3A_78 = arith.constant 0 : index
      %get3A_79 = tpu.vector_load %arg8[%get3A_77, %get3A_78] {strides = array<i32>} : memref<16x16xf32, #tpu.memory_space<vmem>>, vector<1x16xf32>,
      %get3A_80 = vector.shape_cast %get3A_79 : vector<1x16xf32> to vector<16xf32>
      %get3A_81 = arith.constant 1 : i32
      %get3A_82 = arith.index_cast %get3A_81 : i32 to index
      %get3A_83 = arith.constant 0 : index
      %get3A_84 = tpu.vector_load %arg8[%get3A_82, %get3A_83] {strides = array<i32>} : memref<16x16xf32, #tpu.memory_space<vmem>>, vector<1x16xf32>,
      %get3A_85 = vector.shape_cast %get3A_84 : vector<1x16xf32> to vector<16xf32>
      %add3A_86 = arith.addf %get3A_80, %get3A_85 : vector<16xf32>
      %get3A_87 = arith.constant 2 : i32
      %get3A_88 = arith.index_cast %get3A_87 : i32 to index
      %get3A_89 = arith.constant 0 : index
      %get3A_90 = tpu.vector_load %arg8[%get3A_88, %get3A_89] {strides = array<i32>} : memref<16x16xf32, #tpu.memory_space<vmem>>, vector<1x16xf32>,
      %get3A_91 = vector.shape_cast %get3A_90 : vector<1x16xf32> to vector<16xf32>
      %add3A_92 = arith.addf %add3A_86, %get3A_91 : vector<16xf32>
      %get3A_93 = arith.constant 3 : i32
      %get3A_94 = arith.index_cast %get3A_93 : i32 to index
      %get3A_95 = arith.constant 0 : index
      %get3A_96 = tpu.vector_load %arg8[%get3A_94, %get3A_95] {strides = array<i32>} : memref<16x16xf32, #tpu.memory_space<vmem>>, vector<1x16xf32>,
      %get3A_97 = vector.shape_cast %get3A_96 : vector<1x16xf32> to vector<16xf32>
      %add3A_98 = arith.addf %add3A_92, %get3A_97 : vector<16xf32>
      %get3A_99 = arith.constant 4 : i32
      %get3A_100 = arith.index_cast %get3A_99 : i32 to index
      %get3A_101 = arith.constant 0 : index
      %get3A_102 = tpu.vector_load %arg8[%get3A_100, %get3A_101] {strides = array<i32>} : memref<16x16xf32, #tpu.memory_space<vmem>>, vector<1x16xf32>,
      %get3A_103 = vector.shape_cast %get3A_102 : vector<1x16xf32> to vector<16xf32>
      %add3A_104 = arith.addf %add3A_98, %get3A_103 : vector<16xf32>
      %get3A_105 = arith.constant 5 : i32
      %get3A_106 = arith.index_cast %get3A_105 : i32 to index
      %get3A_107 = arith.constant 0 : index
      %get3A_108 = tpu.vector_load %arg8[%get3A_106, %get3A_107] {strides = array<i32>} : memref<16x16xf32, #tpu.memory_space<vmem>>, vector<1x16xf32>,
      %get3A_109 = vector.shape_cast %get3A_108 : vector<1x16xf32> to vector<16xf32>
      %add3A_110 = arith.addf %add3A_104, %get3A_109 : vector<16xf32>
      %get3A_111 = arith.constant 6 : i32
      %get3A_112 = arith.index_cast %get3A_111 : i32 to index
      %get3A_113 = arith.constant 0 : index
      %get3A_114 = tpu.vector_load %arg8[%get3A_112, %get3A_113] {strides = array<i32>} : memref<16x16xf32, #tpu.memory_space<vmem>>, vector<1x16xf32>,
      %get3A_115 = vector.shape_cast %get3A_114 : vector<1x16xf32> to vector<16xf32>
      %add3A_116 = arith.addf %add3A_110, %get3A_115 : vector<16xf32>
      %get3A_117 = arith.constant 7 : i32
      %get3A_118 = arith.index_cast %get3A_117 : i32 to index
      %get3A_119 = arith.constant 0 : index
      %get3A_120 = tpu.vector_load %arg8[%get3A_118, %get3A_119] {strides = array<i32>} : memref<16x16xf32, #tpu.memory_space<vmem>>, vector<1x16xf32>,
      %get3A_121 = vector.shape_cast %get3A_120 : vector<1x16xf32> to vector<16xf32>
      %add3A_122 = arith.addf %add3A_116, %get3A_121 : vector<16xf32>
      %get3A_123 = arith.constant 8 : i32
      %get3A_124 = arith.index_cast %get3A_123 : i32 to index
      %get3A_125 = arith.constant 0 : index
      %get3A_126 = tpu.vector_load %arg8[%get3A_124, %get3A_125] {strides = array<i32>} : memref<16x16xf32, #tpu.memory_space<vmem>>, vector<1x16xf32>,
      %get3A_127 = vector.shape_cast %get3A_126 : vector<1x16xf32> to vector<16xf32>
      %add3A_128 = arith.addf %add3A_122, %get3A_127 : vector<16xf32>
      %get3A_129 = arith.constant 9 : i32
      %get3A_130 = arith.index_cast %get3A_129 : i32 to index
      %get3A_131 = arith.constant 0 : index
      %get3A_132 = tpu.vector_load %arg8[%get3A_130, %get3A_131] {strides = array<i32>} : memref<16x16xf32, #tpu.memory_space<vmem>>, vector<1x16xf32>,
      %get3A_133 = vector.shape_cast %get3A_132 : vector<1x16xf32> to vector<16xf32>
      %add3A_134 = arith.addf %add3A_128, %get3A_133 : vector<16xf32>
      %get3A_135 = arith.constant 10 : i32
      %get3A_136 = arith.index_cast %get3A_135 : i32 to index
      %get3A_137 = arith.constant 0 : index
      %get3A_138 = tpu.vector_load %arg8[%get3A_136, %get3A_137] {strides = array<i32>} : memref<16x16xf32, #tpu.memory_space<vmem>>, vector<1x16xf32>,
      %get3A_139 = vector.shape_cast %get3A_138 : vector<1x16xf32> to vector<16xf32>
      %add3A_140 = arith.addf %add3A_134, %get3A_139 : vector<16xf32>
      %get3A_141 = arith.constant 11 : i32
      %get3A_142 = arith.index_cast %get3A_141 : i32 to index
      %get3A_143 = arith.constant 0 : index
      %get3A_144 = tpu.vector_load %arg8[%get3A_142, %get3A_143] {strides = array<i32>} : memref<16x16xf32, #tpu.memory_space<vmem>>, vector<1x16xf32>,
      %get3A_145 = vector.shape_cast %get3A_144 : vector<1x16xf32> to vector<16xf32>
      %add3A_146 = arith.addf %add3A_140, %get3A_145 : vector<16xf32>
      %get3A_147 = arith.constant 12 : i32
      %get3A_148 = arith.index_cast %get3A_147 : i32 to index
      %get3A_149 = arith.constant 0 : index
      %get3A_150 = tpu.vector_load %arg8[%get3A_148, %get3A_149] {strides = array<i32>} : memref<16x16xf32, #tpu.memory_space<vmem>>, vector<1x16xf32>,
      %get3A_151 = vector.shape_cast %get3A_150 : vector<1x16xf32> to vector<16xf32>
      %add3A_152 = arith.addf %add3A_146, %get3A_151 : vector<16xf32>
      %get3A_153 = arith.constant 13 : i32
      %get3A_154 = arith.index_cast %get3A_153 : i32 to index
      %get3A_155 = arith.constant 0 : index
      %get3A_156 = tpu.vector_load %arg8[%get3A_154, %get3A_155] {strides = array<i32>} : memref<16x16xf32, #tpu.memory_space<vmem>>, vector<1x16xf32>,
      %get3A_157 = vector.shape_cast %get3A_156 : vector<1x16xf32> to vector<16xf32>
      %add3A_158 = arith.addf %add3A_152, %get3A_157 : vector<16xf32>
      %get3A_159 = arith.constant 14 : i32
      %get3A_160 = arith.index_cast %get3A_159 : i32 to index
      %get3A_161 = arith.constant 0 : index
      %get3A_162 = tpu.vector_load %arg8[%get3A_160, %get3A_161] {strides = array<i32>} : memref<16x16xf32, #tpu.memory_space<vmem>>, vector<1x16xf32>,
      %get3A_163 = vector.shape_cast %get3A_162 : vector<1x16xf32> to vector<16xf32>
      %add3A_164 = arith.addf %add3A_158, %get3A_163 : vector<16xf32>
      %get3A_165 = arith.constant 15 : i32
      %get3A_166 = arith.index_cast %get3A_165 : i32 to index
      %get3A_167 = arith.constant 0 : index
      %get3A_168 = tpu.vector_load %arg8[%get3A_166, %get3A_167] {strides = array<i32>} : memref<16x16xf32, #tpu.memory_space<vmem>>, vector<1x16xf32>,
      %get3A_169 = vector.shape_cast %get3A_168 : vector<1x16xf32> to vector<16xf32>
      %add3A_170 = arith.addf %add3A_164, %get3A_169 : vector<16xf32>
      %slice3A = vector.extract_strided_slice %add3A_170 {offsets = [0], sizes = [1], strides = [1]} : vector<16xf32> to vector<1xf32>
      %squeeze3A = vector.extract %slice3A[0] : f32 from vector<1xf32>
      %slice3A_171 = vector.extract_strided_slice %add3A_170 {offsets = [1], sizes = [1], strides = [1]} : vector<16xf32> to vector<1xf32>
      %squeeze3A_172 = vector.extract %slice3A_171[0] : f32 from vector<1xf32>
      %add3A_173 = arith.addf %squeeze3A, %squeeze3A_172 : f32
      %slice3A_174 = vector.extract_strided_slice %add3A_170 {offsets = [2], sizes = [1], strides = [1]} : vector<16xf32> to vector<1xf32>
      %squeeze3A_175 = vector.extract %slice3A_174[0] : f32 from vector<1xf32>
      %add3A_176 = arith.addf %add3A_173, %squeeze3A_175 : f32
      %slice3A_177 = vector.extract_strided_slice %add3A_170 {offsets = [3], sizes = [1], strides = [1]} : vector<16xf32> to vector<1xf32>
      %squeeze3A_178 = vector.extract %slice3A_177[0] : f32 from vector<1xf32>
      %add3A_179 = arith.addf %add3A_176, %squeeze3A_178 : f32
      %slice3A_180 = vector.extract_strided_slice %add3A_170 {offsets = [4], sizes = [1], strides = [1]} : vector<16xf32> to vector<1xf32>
      %squeeze3A_181 = vector.extract %slice3A_180[0] : f32 from vector<1xf32>
      %add3A_182 = arith.addf %add3A_179, %squeeze3A_181 : f32
      %slice3A_183 = vector.extract_strided_slice %add3A_170 {offsets = [5], sizes = [1], strides = [1]} : vector<16xf32> to vector<1xf32>
      %squeeze3A_184 = vector.extract %slice3A_183[0] : f32 from vector<1xf32>
      %add3A_185 = arith.addf %add3A_182, %squeeze3A_184 : f32
      %slice3A_186 = vector.extract_strided_slice %add3A_170 {offsets = [6], sizes = [1], strides = [1]} : vector<16xf32> to vector<1xf32>
      %squeeze3A_187 = vector.extract %slice3A_186[0] : f32 from vector<1xf32>
      %add3A_188 = arith.addf %add3A_185, %squeeze3A_187 : f32
      %slice3A_189 = vector.extract_strided_slice %add3A_170 {offsets = [7], sizes = [1], strides = [1]} : vector<16xf32> to vector<1xf32>
      %squeeze3A_190 = vector.extract %slice3A_189[0] : f32 from vector<1xf32>
      %add3A_191 = arith.addf %add3A_188, %squeeze3A_190 : f32
      %slice3A_192 = vector.extract_strided_slice %add3A_170 {offsets = [8], sizes = [1], strides = [1]} : vector<16xf32> to vector<1xf32>
      %squeeze3A_193 = vector.extract %slice3A_192[0] : f32 from vector<1xf32>
      %add3A_194 = arith.addf %add3A_191, %squeeze3A_193 : f32
      %slice3A_195 = vector.extract_strided_slice %add3A_170 {offsets = [9], sizes = [1], strides = [1]} : vector<16xf32> to vector<1xf32>
      %squeeze3A_196 = vector.extract %slice3A_195[0] : f32 from vector<1xf32>
      %add3A_197 = arith.addf %add3A_194, %squeeze3A_196 : f32
      %slice3A_198 = vector.extract_strided_slice %add3A_170 {offsets = [10], sizes = [1], strides = [1]} : vector<16xf32> to vector<1xf32>
      %squeeze3A_199 = vector.extract %slice3A_198[0] : f32 from vector<1xf32>
      %add3A_200 = arith.addf %add3A_197, %squeeze3A_199 : f32
      %slice3A_201 = vector.extract_strided_slice %add3A_170 {offsets = [11], sizes = [1], strides = [1]} : vector<16xf32> to vector<1xf32>
      %squeeze3A_202 = vector.extract %slice3A_201[0] : f32 from vector<1xf32>
      %add3A_203 = arith.addf %add3A_200, %squeeze3A_202 : f32
      %slice3A_204 = vector.extract_strided_slice %add3A_170 {offsets = [12], sizes = [1], strides = [1]} : vector<16xf32> to vector<1xf32>
      %squeeze3A_205 = vector.extract %slice3A_204[0] : f32 from vector<1xf32>
      %add3A_206 = arith.addf %add3A_203, %squeeze3A_205 : f32
      %slice3A_207 = vector.extract_strided_slice %add3A_170 {offsets = [13], sizes = [1], strides = [1]} : vector<16xf32> to vector<1xf32>
      %squeeze3A_208 = vector.extract %slice3A_207[0] : f32 from vector<1xf32>
      %add3A_209 = arith.addf %add3A_206, %squeeze3A_208 : f32
      %slice3A_210 = vector.extract_strided_slice %add3A_170 {offsets = [14], sizes = [1], strides = [1]} : vector<16xf32> to vector<1xf32>
      %squeeze3A_211 = vector.extract %slice3A_210[0] : f32 from vector<1xf32>
      %add3A_212 = arith.addf %add3A_209, %squeeze3A_211 : f32
      %slice3A_213 = vector.extract_strided_slice %add3A_170 {offsets = [15], sizes = [1], strides = [1]} : vector<16xf32> to vector<1xf32>
      %squeeze3A_214 = vector.extract %slice3A_213[0] : f32 from vector<1xf32>
      %add3A_215 = arith.addf %add3A_212, %squeeze3A_214 : f32
      %broadcast_in_dim3A_216 = vector.broadcast %add3A_215 : f32 to vector<16xf32>
      %swap3A_217 = arith.constant 0 : index
      %swap3A_218 = tpu.vector_load %arg7[%swap3A_217] {strides = array<i32>} : memref<16xf32, #tpu.memory_space<vmem>>, vector<16xf32>,
      %swap3A_219 = vector.shape_cast %swap3A_218 : vector<16xf32> to vector<16xf32>
      %swap3A_220 = vector.shape_cast %broadcast_in_dim3A_216 : vector<16xf32> to vector<16xf32>
      tpu.vector_store %arg7[%swap3A_217], %swap3A_220 {strides = array<i32>} : memref<16xf32, #tpu.memory_space<vmem>>, vector<16xf32>,
      "tpu.region"() ({
        %run_scoped3A = tpu.sem_alloc : memref<!tpu.dma_semaphore, #tpu.memory_space<semaphore_mem>>
        %dma_start3A_221 = arith.constant 0 : i32
        %dma_start3A_222 = tpu.memref_slice %arg7[%dma_start3A_221] : memref<16xf32, #tpu.memory_space<vmem>> -> memref<1xf32, #tpu.memory_space<vmem>>
        %dma_start3A_223 = arith.constant 0 : i32
        %dma_start3A_224 = tpu.memref_slice %arg7[%dma_start3A_223] : memref<16xf32, #tpu.memory_space<vmem>> -> memref<1xf32, #tpu.memory_space<vmem>>
        tpu.enqueue_dma source(%dma_start3A_224 : memref<1xf32, #tpu.memory_space<vmem>>) target(%arg3 : memref<1xf32, #tpu.memory_space<hbm>>) target_semaphore(%run_scoped3A : memref<!tpu.dma_semaphore, #tpu.memory_space<semaphore_mem>>)
        %dma_wait3A_225 = arith.constant 0 : i32
        %dma_wait3A_226 = tpu.memref_slice %arg7[%dma_wait3A_225] : memref<16xf32, #tpu.memory_space<vmem>> -> memref<1xf32, #tpu.memory_space<vmem>>
        %dma_wait3A_227 = arith.constant 0 : i32
        %dma_wait3A_228 = tpu.memref_slice %arg7[%dma_wait3A_227] : memref<16xf32, #tpu.memory_space<vmem>> -> memref<1xf32, #tpu.memory_space<vmem>>
        tpu.wait_dma2 semaphore(%run_scoped3A : memref<!tpu.dma_semaphore, #tpu.memory_space<semaphore_mem>>) src(%dma_wait3A_228 : memref<1xf32, #tpu.memory_space<vmem>>) dst(%arg3 : memref<1xf32, #tpu.memory_space<hbm>>)
        tpu.yield
      }) : () -> ()
    } else {
    }
    return
  }
}

</mosaic_0001>

<sc_bundles>
// kernel: kernel.3.cloned.1.call-start
scs
__scs_entry_jumppad:
0x0: {  	(pc) =	sbr.rel $0x88, $3  }
0x1: {  	(tag) =	ssettag $0x0;
	lr =	simm.s32 $0x1  }
0x2: {  	[smem:$0x3FA0] =	sst lr;
	_ =	strace $0xD0000000  }
0x3: {  	_ = 	snop  }
0x4: {  	_ = 	snop  }
0x5: {  	_ = 	snop  }
0x6: {  	_ = 	snop  }
0x7: {  	_ = 	snop  }
__scs_overlays_trampoline_lowered:
0x8: {  	[smem:$0x3FAF] =	sst s0  }
0x9: {  	[smem:$0x3FB0] =	sst s1  }
0xa: {  	[smem:$0x3FB1] =	sst s2  }
0xb: {  	[smem:$0x3FB2] =	sst s3  }
0xc: {  	[smem:$0x3FB3] =	sst s4  }
0xd: {  	[smem:$0x3FB4] =	sst s5  }
0xe: {  	[smem:$0x3FB5] =	sst s6  }
0xf: {  	[smem:$0x3FB6] =	sst s7  }
0x10: {  	[smem:$0x3FB7] =	sst s8  }
0x11: {  	[smem:$0x3FB8] =	sst s9;
	s0 =	simm.s32 @!p0 $0x0  }
0x12: {  	s1 =	sld [smem:$0x3F9E];
	s0 =	simm.s32 @p0 $0x1  }
0x13: {  	[smem:$0x3FB9] =	sst s0;
	s0 =	simm.s32 @!p1 $0x0  }
0x14: {  	s2 =	sld [smem:$0x3F9D];
	s0 =	simm.s32 @p1 $0x1  }
0x15: {  	[smem:$0x3FBA] =	sst s0;
	s0 =	simm.s32 @!p2 $0x0  }
0x16: {  	s3 =	sld [smem:$0x3FDB];
	s0 =	simm.s32 @p2 $0x1  }
0x17: {  	s4 =	simm.s32 $0x1BF5;
	[smem:$0x3FBC] =	sst s0  }
0x18: {  	s0 =	sld [smem:$0x3F9F];
	_ =	swait.ge [sflag:s4], $0x0  }
0x19: {  	s7 =	sld [smem:$0x3FA0]  }
0x1a: {  	s8 =	sadd.s32 $0xFFFFE003, lr  }
0x1b: {  	s9 =	sadd.s32 $0xFFFFFEF7, lr;
	s5 =	simm.s32 $0xFFFFFFFF;
	p2 =	slt.u32 s8, $0xFFFFF086  }
0x1c: {  	p1 =	slt.u32 s9, $0xF7A;
	s5 =	simm.s32 @!p2 $0x0  }
0x1d: {  	s5 =	simm.s32 @p1 $0x1;
	p0 =	seq.s32 s7, s2  }
0x1e: {  	s7 =	smul.u32 @!p0 $0xF7A, s2;
	p2 =	seq.s32 @!p0 s5, $0x0  }
0x1f: {  	s9 =	smul.u32 $0xF7A, s1;
	s8 =	simm.s32 @!p0 $0x1BF5;
	p2 =	por !p2, p0  }
0x20: {  	[sflag:s8] =	ssyncset.s32 @!p0 $0xFFFFF086;
	s6 =	sadd.s32 @!p0 s3, s7;
	s7 =	simm.s32 @!p0 $0x108  }
0x21: {  	s3 =	sadd.s32 s3, s9;
	s6 =	sadd.s32 @!p0 $0x88, s6;
	s7 =	simm.s32 @p2 $0x1082  }
0x22: {  	[simem:s7], [sflag:s8] =	dma.local @!p0 [hbm:s6], $0xF7A  }
0x23: {  	s9 =	sor.u32 $0xD0000000, s2;
	s6 =	simm.s32 $0x108;
	_ =	swait.ge @!p0 [sflag:s8], $0x0  }
0x24: {  	s3 =	sadd.s32 $0x88, s3;
	s6 =	simm.s32 @!p1 $0x1082;
	[sflag:s4] =	ssyncset.s32 $0xFFFFF086  }
0x25: {  	[simem:s6], [sflag:s4] =	dma.local [hbm:s3], $0xF7A  }
0x26: {  	[smem:$0x3FA0] =	sst s1;
	(tag) =	ssettag s2;
	_ =	strace s9  }
0x27: {  	s1 =	sld [smem:$0x3FB0]  }
0x28: {  	s2 =	sld [smem:$0x3FB1]  }
0x29: {  	s4 =	sld [smem:$0x3FB3]  }
0x2a: {  	p0 =	seq.s32 s5, $0x0;
	s5 =	sld [smem:$0x3FB4]  }
0x2b: {  	s6 =	sld [smem:$0x3FB5]  }
0x2c: {  	s7 =	sld [smem:$0x3FB6]  }
0x2d: {  	s3 =	simm.s32 $0x108;
	s8 =	sld [smem:$0x3FB7]  }
0x2e: {  	s3 =	simm.s32 @!p0 $0x1082;
	s9 =	sld [smem:$0x3FB8]  }
0x2f: {  	lr =	sadd.s32 s0, s3;
	s0 =	sld [smem:$0x3FAF]  }
0x30: {  	s3 =	sld [smem:$0x3FB2]  }
0x31: {  	[smem:$0x3FBB] =	sst s10  }
0x32: {  	s10 =	sld [smem:$0x3FB9];
	_ =	sdelay $0x3  }
0x33: {  	p0 =	seq.s32 s10, $0x1;
	s10 =	sld [smem:$0x3FBB];
	_ =	sdelay $0x3  }
0x34: {  	[smem:$0x3FBB] =	sst s10  }
0x35: {  	s10 =	sld [smem:$0x3FBA];
	_ =	sdelay $0x3  }
0x36: {  	p1 =	seq.s32 s10, $0x1;
	s10 =	sld [smem:$0x3FBB];
	_ =	sdelay $0x3  }
0x37: {  	[smem:$0x3FBB] =	sst s10  }
0x38: {  	s10 =	sld [smem:$0x3FBC]  }
0x39: {  	_ = 	snop;
	(pc) =	sbr.ind lr, $3  }
0x3a: {  	_ = 	snop  }
0x3b: {  	_ = 	snop  }
0x3c: {  	p2 =	seq.s32 s10, $0x1;
	s10 =	sld [smem:$0x3FBB]  }
0x3d: {  	_ =	shalt  }
0x3e: {  	_ =	shalt  }
0x3f: {  	_ =	shalt  }
0x40: {  	_ =	shalt  }
0x41: {  	_ =	shalt  }
0x42: {  	_ =	shalt  }
0x43: {  	_ =	shalt  }
0x44: {  	_ =	shalt  }
0x45: {  	_ =	shalt  }
0x46: {  	_ =	shalt  }
0x47: {  	_ =	shalt  }
0x48: {  	_ =	shalt  }
0x49: {  	_ =	shalt  }
0x4a: {  	_ =	shalt  }
0x4b: {  	_ =	shalt  }
0x4c: {  	_ =	shalt  }
0x4d: {  	_ =	shalt  }
0x4e: {  	_ =	shalt  }
0x4f: {  	_ =	shalt  }
0x50: {  	_ =	shalt  }
0x51: {  	_ =	shalt  }
0x52: {  	_ =	shalt  }
0x53: {  	_ =	shalt  }
0x54: {  	_ =	shalt  }
0x55: {  	_ =	shalt  }
0x56: {  	_ =	shalt  }
0x57: {  	_ =	shalt  }
0x58: {  	_ =	shalt  }
0x59: {  	_ =	shalt  }
0x5a: {  	_ =	shalt  }
0x5b: {  	_ =	shalt  }
0x5c: {  	_ =	shalt  }
0x5d: {  	_ =	shalt  }
0x5e: {  	_ =	shalt  }
0x5f: {  	_ =	shalt  }
0x60: {  	_ =	shalt  }
0x61: {  	_ =	shalt  }
0x62: {  	_ =	shalt  }
0x63: {  	_ =	shalt  }
0x64: {  	_ =	shalt  }
0x65: {  	_ =	shalt  }
0x66: {  	_ =	shalt  }
0x67: {  	_ =	shalt  }
0x68: {  	_ =	shalt  }
0x69: {  	_ =	shalt  }
0x6a: {  	_ =	shalt  }
0x6b: {  	_ =	shalt  }
0x6c: {  	_ =	shalt  }
0x6d: {  	_ =	shalt  }
0x6e: {  	_ =	shalt  }
0x6f: {  	_ =	shalt  }
0x70: {  	_ =	shalt  }
0x71: {  	_ =	shalt  }
0x72: {  	_ =	shalt  }
0x73: {  	_ =	shalt  }
0x74: {  	_ =	shalt  }
0x75: {  	_ =	shalt  }
0x76: {  	_ =	shalt  }
0x77: {  	_ =	shalt  }
0x78: {  	_ =	shalt  }
0x79: {  	_ =	shalt  }
0x7a: {  	_ =	shalt  }
0x7b: {  	_ =	shalt  }
0x7c: {  	_ =	shalt  }
0x7d: {  	_ =	shalt  }
0x7e: {  	_ =	shalt  }
0x7f: {  	_ =	shalt  }
0x80: {  	_ =	shalt  }
0x81: {  	_ =	shalt  }
0x82: {  	_ =	shalt  }
0x83: {  	_ =	shalt  }
0x84: {  	_ =	shalt  }
0x85: {  	_ =	shalt  }
0x86: {  	_ =	shalt  }
0x87: {  	_ =	shalt  }
.Lfunc_end0:
.L_simem_size_0:
called_computation_lowered:
.L_overlay_start_0:
0x88: {  	s0 =	sld [smem:$0x3FD9]  }
0x89: {  	s1 =	sld [smem:$0x3FFE];
	_ =	sdelay $0x3  }
0x8a: {  	s0 =	sadd.s32 s1, s0  }
0x8b: {  	[smem:$0x3FC7] =	sst s0  }
0x8c: {  	_ = 	snop  }
0x8d: {  	s0 =	sld [smem:$0x3FD0];
	(tm) =	ssettm $0x1  }
0x8e: {  	s16 =	sld [smem:$0x3FFB];
	_ =	sdelay $0x3  }
0x8f: {  	_ =	strace s16  }
0x90: {  	s1 =	sld [smem:$0x3FFC];
	_ =	sdelay $0x3  }
0x91: {  	_ =	strace s1  }
0x92: {  	s1 =	sld [smem:$0x3FFD];
	_ =	sdelay $0x3  }
0x93: {  	_ =	strace s1  }
0x94: {  	_ =	strace $0x8FFFFFFF  }
0x95: {  	s17 =	sld [smem:$0x3FDB];
	_ =	sdelay $0x1  }
0x96: {  	s2 =	simm.s32 $_scs_section_size  }
0x97: {  	s3 =	simm.s32 $_size__tile_overlayer_lowered;
	s4 =	simm.s32 $_tile_overlayer_lowered  }
0x98: {  	s20 =	simm.s32 $0x1BFF;
	s19 =	sshll.u32 s4, $0x1;
	s1 =	sadd.s32 s2, s17  }
0x99: {  	s5 =	simm.s32 $0x0;
	s18 =	sshll.u32 s3, $0x1;
	s3 =	sadd.s32 s19, s1  }
0x9a: {  	[timem:s5], [sflag:s20] =	dma.local [hbm:s3], s18  }
0x9b: {  	_ =	swait.ge [sflag:s20], s18  }
0x9c: {  	s2 =	ssub.s32 $0x0, s18;
	[sflag:s20] =	ssyncset.done $0x0  }
0x9d: {  	[sflag:s20] =	ssyncadd.s32 s2;
	_ =	sdelay $0x1  }
0x9e: {  	s21 =	simm.s32 $0x1B8B  }
0x9f: {  	_ =	swait.ge [sflag:s21], $0x1  }
0xa0: {  	[sflag:s21] =	ssyncset.done $0x0  }
0xa1: {  	s23 =	simm.s32 $0x1B8E;
	s22 =	sld [smem:$0x3FFE];
	[sflag:s21] =	ssyncadd.s32 $0xFFFFFFFF  }
0xa2: {  	s24 =	simm.s32 $execute0_lowered;
	[smem:$0x3FD2] =	sst s23  }
0xa3: {  	s3 =	sshll.u32 s24, $0x1;
	_ =	strace $0x80000046;
	[dreg:$0x1] =	wrdreg $0xFFFFFFFF  }
0xa4: {  	s25 =	simm.s32 $_size_execute0_lowered;
	s1 =	sadd.s32 s1, s3;
	[dreg:$0x0] =	wrdreg $0x0  }
0xa5: {  	s3 =	sshll.u32 s25, $0x1;
	[dreg:$0x2] =	wrdreg s1  }
0xa6: {  	[dreg:$0x3] =	wrdreg s3  }
0xa7: {  	[dreg:$0x4] =	wrdreg $0xC0  }
0xa8: {  	_ =	task [dreg:s5], $0x5FFFF  }
0xa9: {  	[dreg:$0x1] =	wrdreg $0xFFFFFFFF  }
0xaa: {  	[dreg:$0x0] =	wrdreg $0x60  }
0xab: {  	[dreg:$0x2] =	wrdreg s22  }
0xac: {  	[dreg:$0x3] =	wrdreg s0  }
0xad: {  	[dreg:$0x4] =	wrdreg $0x9  }
0xae: {  	_ =	task.clear_ibuf [dreg:s5], $0x5FFFF;
	_ =	strace $0x90000046  }
0xaf: {  	s26 =	simm.s32 $0x9;
	_ =	strace $0x80000048  }
0xb0: {  	_ =	swait.ge [sflag:s26], $0x1  }
0xb1: {  	[sflag:s26] =	ssyncadd.s32 $0xFFFFFFFF  }
0xb2: {  	_ =	strace $0x90000048  }
0xb3: {  	_ =	sfence  }
0xb4: {  	s28 =	sld [smem:$0x0];
	_ =	sdelay $0x1  }
0xb5: {  	s29 =	srdreg.scid  }
0xb6: {  	s30 =	sshll.u32 s29, $0xD;
	s31 =	sshrl.u32 s29, $0x2  }
0xb7: {  	s2 =	sand.u32 $0x4000, s30;
	s1 =	sand.u32 $0x1, s29;
	s0 =	sadd.s32 s31, s28  }
0xb8: {  	s1 =	sor.u32 s2, s1;
	s0 =	sshll.u32 s0, $0x11  }
0xb9: {  	s0 =	sor.u32 s0, s1  }
0xba: {  	s0 =	sadd.s32 $0x8F2B, s0  }
0xbb: {  	[sflag:s0] =	ssyncadd.remote.s32 $0x1  }
0xbc: {  	_ =	sfence.sel $0xFFFF  }
0xbd: {  	[dreg:$0x0] =	wrdreg $0xFFFFFFFF;
	(pc) =	sbr.abs _section_cstart, $3  }
0xbe: {  	[dreg:$0x1] =	wrdreg $0xFFFFFFFF  }
0xbf: {  	_ =	task.clear_ibuf [dreg:s5], $0x2FFFF;
	_ =	strace $0x9FFFFFFF  }
0xc0: {  	(tm) =	ssettm $0x7FFFFFFF  }
0xc1: {  	_ =	shalt  }
tec
execute0_lowered:
.L_overlay_start_1:
0x0: {  	(tag) =	ssettag $0x1  }
0x1: {  	s2 =	stileid.u32  }
0x2: {  	s3 =	rddreg [dreg:$0x0];
	s5 =	smul.u32 $0x5570, s2  }
0x3: {  	s1 =	rddreg [dreg:$0x1];
	s6 =	simm.s32 $0x0  }
0x4: {  	[smem:$0x7FF] =	sst s6;
	s4 =	sadd.s32 $0x800, s3;
	s5 =	sshrl.u32 s5, $0x3  }
0x5: {  	s0 =	rddreg [dreg:$0x2];
	_ =	strace $0x80000047;
	s5 =	sadd.s32 s4, s5  }
0x6: {  	[tilespmem:s6], [sflag:$0x1] =	stream.linear.gather [hbm4b:s5+s6], $0x2AC0, $0x38;
	[tilespmem:$0x5E80] =	vst v63  }
0x7: {  	s7 =	simm.s32 $0x2AC0;
	s31 =	simm.s32 $0x1;
	s5 =	sadd.s32 $0x558, s5  }
0x8: {  	[tilespmem:s7], [sflag:$0x2] =	stream.linear.gather [hbm4b:s5+s6], $0x2AB0, $0x38;
	[tilespmem:$0x5E80] =	vst v63  }
0x9: {  	_ =	swait.ge [sflag:s31], $0x2AC0  }
0xa: {  	[sflag:s31] =	ssyncset.done $0x0  }
0xb: {  	s5 =	simm.s32 $0x0;
	[sflag:s31] =	ssyncadd.s32 $0xFFFFD540  }
0xc: {  	v5 =	vld [tilespmem:s5+$0x10]  }
0xd: {  	v0 =	vld [tilespmem:s5+$0x30]  }
0xe: {  	v7 =	vld [tilespmem:s5+$0x0]  }
0xf: {  	v8 =	vimm.f32 $0.0e+00;
	v1 =	vld [tilespmem:s5+$0x20]  }
0x10: {  	v3 =	vimm.f32 $0.0e+00;
	v6 =	vimm.f32 $0.0e+00;
	v4 =	vimm.f32 $0.0e+00;
	s3 =	sadd.s32 $0xB400, s3;
	s6 =	simm.s32 $0x200;
	v2 =	vld [tilespmem:s5+$0x40]  }
.LBB2_1:
0x11: {  	p0 =	sne.s32 s6, $0xA800;
	v9 =	vld [tilespmem:s5+$0x60];
	v10 =	vmov v5  }
0x12: {  	v11 =	vld [tilespmem:s5+$0x50];
	v12 =	vmov v0  }
0x13: {  	v13 =	vld [tilespmem:s5+$0x70];
	s5 =	sshra.s32 s6, $0x2  }
.Ltmp0:
0x14: {  	v5 =	vld [tilespmem:s5+$0x10];
	(pc) =	sbr.rel @p0 .LBB2_1-.Ltmp0, $4  }
0x15: {  	v8 =	vadd.f32 v7, v8;
	v3 =	vadd.f32 v1, v3;
	v0 =	vld [tilespmem:s5+$0x30]  }
0x16: {  	v6 =	vadd.f32 v2, v6;
	v7 =	vld [tilespmem:s5+$0x0];
	v4 =	vadd.f32 v9, v4  }
0x17: {  	v8 =	vadd.f32 v10, v8;
	v3 =	vadd.f32 v12, v3;
	v1 =	vld [tilespmem:s5+$0x20]  }
0x18: {  	s6 =	sadd.s32 $0x200, s6;
	v6 =	vadd.f32 v11, v6;
	v2 =	vld [tilespmem:s5+$0x40];
	v4 =	vadd.f32 v13, v4  }
0x19: {  	v9 =	vld [tilespmem:s5+$0x60]  }
0x1a: {  	v10 =	vld [tilespmem:s5+$0x50]  }
0x1b: {  	v12 =	vld [tilespmem:$0x2A80]  }
0x1c: {  	v11 =	vld [tilespmem:s5+$0x70];
	v7 =	vadd.f32 v7, v8  }
0x1d: {  	v8 =	vld [tilespmem:$0x2A90]  }
0x1e: {  	v13 =	vld [tilespmem:$0x2AA0];
	s31 =	simm.s32 $0x2;
	v5 =	vadd.f32 v5, v7  }
0x1f: {  	v7 =	vld [tilespmem:$0x2AB0];
	_ =	swait.ge [sflag:s31], $0x2AB0  }
0x20: {  	[sflag:s31] =	ssyncset.done $0x0;
	v5 =	vadd.f32 v12, v5  }
0x21: {  	s5 =	simm.s32 $0x0;
	[sflag:s31] =	ssyncadd.s32 $0xFFFFD550  }
0x22: {  	v8 =	vadd.f32 v8, v5;
	v5 =	vld [tilespmem:s5+$0x2AD0]  }
0x23: {  	v3 =	vadd.f32 v1, v3;
	v6 =	vadd.f32 v2, v6;
	v1 =	vld [tilespmem:s5+$0x2AF0]  }
0x24: {  	v9 =	vadd.f32 v9, v4;
	v2 =	vld [tilespmem:s5+$0x2AC0];
	v8 =	vadd.f32 v13, v8  }
0x25: {  	v0 =	vadd.f32 v0, v3;
	v4 =	vadd.f32 v10, v6;
	v3 =	vld [tilespmem:s5+$0x2AE0]  }
0x26: {  	s6 =	simm.s32 $0x200;
	v6 =	vadd.f32 v11, v9;
	v8 =	vadd.f32 v7, v8;
	v7 =	vld [tilespmem:s5+$0x2B00]  }
.LBB2_3:
0x27: {  	p0 =	sne.s32 s6, $0xA800;
	v9 =	vld [tilespmem:s5+$0x2B20];
	v10 =	vmov v5  }
0x28: {  	v11 =	vld [tilespmem:s5+$0x2B10];
	v12 =	vmov v1  }
0x29: {  	v13 =	vld [tilespmem:s5+$0x2B30];
	s5 =	sshra.s32 s6, $0x2  }
.Ltmp1:
0x2a: {  	v5 =	vld [tilespmem:s5+$0x2AD0];
	(pc) =	sbr.rel @p0 .LBB2_3-.Ltmp1, $4  }
0x2b: {  	v8 =	vadd.f32 v2, v8;
	v0 =	vadd.f32 v3, v0;
	v1 =	vld [tilespmem:s5+$0x2AF0]  }
0x2c: {  	v4 =	vadd.f32 v7, v4;
	v2 =	vld [tilespmem:s5+$0x2AC0];
	v6 =	vadd.f32 v9, v6  }
0x2d: {  	v8 =	vadd.f32 v10, v8;
	v0 =	vadd.f32 v12, v0;
	v3 =	vld [tilespmem:s5+$0x2AE0]  }
0x2e: {  	s6 =	sadd.s32 $0x200, s6;
	v4 =	vadd.f32 v11, v4;
	v7 =	vld [tilespmem:s5+$0x2B00];
	v6 =	vadd.f32 v13, v6  }
0x2f: {  	v9 =	vld [tilespmem:s5+$0x2B20]  }
0x30: {  	v10 =	vld [tilespmem:$0x5540]  }
0x31: {  	v11 =	vld [tilespmem:s5+$0x2B10];
	v2 =	vadd.f32 v2, v8  }
0x32: {  	v58 =	vld [tilespmem:$0x5550]  }
0x33: {  	v12 =	vld [tilespmem:s5+$0x2B30];
	v2 =	vadd.f32 v5, v2  }
0x34: {  	v59 =	vld [tilespmem:$0x5560]  }
0x35: {  	v2 =	vadd.f32 v10, v2  }
0x36: {  	v0 =	vadd.f32 v3, v0;
	v60 =	vadd.f32 v7, v4  }
0x37: {  	v61 =	vadd.f32 v9, v6;
	v2 =	vadd.f32 v58, v2  }
0x38: {  	v0 =	vadd.f32 v1, v0;
	v62 =	vadd.f32 v11, v60  }
0x39: {  	v63 =	vadd.f32 v12, v61;
	v2 =	vadd.f32 v59, v2;
	_ =	sdelay $0x1  }
0x3a: {  	v1 =	vadd.f32 v63, v62;
	v0 =	vadd.f32 v2, v0;
	_ =	sdelay $0x1  }
0x3b: {  	v0 =	vadd.f32 v0, v1  }
0x3c: {  	p0 =	sne.s32 s2, $0xF  }
0x3d: {  	s4 =	sadd.s32 @!p0 $0xAAE0, s4;
	s5 =	simm.s32 @!p0 $0x0;
	s6 =	simm.s32 @!p0 $0x5580;
	[tilespmem:$0x5600] =	vst v0  }
0x3e: {  	[tilespmem:s6], [sflag:$0x3] =	stream.linear.gather @!p0 [hbm4b:s4+s5], $0x30, $0x38;
	[tilespmem:$0x5E80] =	vst v63  }
0x3f: {  	s4 =	simm.s32 @!p0 $0x3  }
0x40: {  	_ =	swait.ge @!p0 [sflag:s4], $0x30  }
0x41: {  	[sflag:s4] =	ssyncset.done @!p0 $0x0  }
0x42: {  	[sflag:s4] =	ssyncadd.s32 @!p0 $0xFFFFFFD0  }
0x43: {  	v0 =	vld @!p0 [tilespmem:$0x5600]  }
0x44: {  	v1 =	vld @!p0 [tilespmem:$0x5580];
	_ =	sdelay $0x1  }
0x45: {  	v2 =	vld @!p0 [tilespmem:$0x5590];
	_ =	sdelay $0x1  }
0x46: {  	v3 =	vld @!p0 [tilespmem:$0x55A0]  }
0x47: {  	v0 =	vadd.f32 @!p0 v1, v0;
	_ =	sdelay $0x1  }
0x48: {  	v0 =	vadd.f32 @!p0 v2, v0;
	_ =	sdelay $0x1  }
0x49: {  	s30 =	sshll.u32 s2, $0x4;
	v0 =	vadd.f32 @!p0 v3, v0  }
0x4a: {  	s31 =	sadd.s32 s3, s30  }
0x4b: {  	s6 =	simm.s32 $0x5600;
	s5 =	simm.s32 $0x3;
	s4 =	simm.s32 $0x0;
	[tilespmem:$0x5600] =	vst @!p0 v0  }
0x4c: {  	[hbm4b:s31+s4] =	stream.linear.scatter [tilespmem:s6], [sflag:$0x3], $0x80, $0x38;
	[tilespmem:$0x5E80] =	vst v63  }
0x4d: {  	_ =	swait.ge [sflag:s5], $0x80  }
0x4e: {  	[sflag:s5] =	ssyncset.done $0x0  }
0x4f: {  	[sflag:s5] =	ssyncadd.s32 $0xFFFFFF80  }
0x50: {  	p0 =	sne.s32 s2, $0x0;
	[bflag:$0x0] =	sbarrier.arrive $0xFFFF  }
0x51: {  	_ =	sfence.sel @p0 $0x180000  }
0x52: {  	[bflag:$0x0] =	sbarrier.arrive @p0 $0xFFFF  }
0x53: {  	_ =	strace @p0 $0x90000047  }
0x54: {  	[bflag:$0x2] =	sbarrier.arrive @p0 $0xFFFF  }
0x55: {  	_ =	shalt @p0  }
.LBB2_5:
0x56: {  	s2 =	simm.s32 $0x5680  }
0x57: {  	[tilespmem:s2], [sflag:$0x3] =	stream.linear.gather [hbm4b:s3+s4], $0x800, $0x38;
	[tilespmem:$0x5E80] =	vst v63  }
0x58: {  	_ =	swait.ge [sflag:s5], $0x800  }
0x59: {  	[sflag:s5] =	ssyncset.done $0x0  }
0x5a: {  	[sflag:s5] =	ssyncadd.s32 $0xFFFFF800  }
0x5b: {  	v0 =	vld [tilespmem:$0x5680]  }
0x5c: {  	v1 =	vld [tilespmem:$0x5700];
	_ =	sdelay $0x1  }
0x5d: {  	v2 =	vld [tilespmem:$0x5780];
	_ =	sdelay $0x1  }
0x5e: {  	v3 =	vld [tilespmem:$0x5800]  }
0x5f: {  	v0 =	vadd.f32 v1, v0  }
0x60: {  	v51 =	vld [tilespmem:$0x5880]  }
0x61: {  	v0 =	vadd.f32 v2, v0  }
0x62: {  	v52 =	vld [tilespmem:$0x5900]  }
0x63: {  	v0 =	vadd.f32 v3, v0  }
0x64: {  	v53 =	vld [tilespmem:$0x5980]  }
0x65: {  	v0 =	vadd.f32 v51, v0  }
0x66: {  	v54 =	vld [tilespmem:$0x5A00]  }
0x67: {  	v0 =	vadd.f32 v52, v0  }
0x68: {  	v55 =	vld [tilespmem:$0x5A80]  }
0x69: {  	v0 =	vadd.f32 v53, v0  }
0x6a: {  	v56 =	vld [tilespmem:$0x5B00]  }
0x6b: {  	v0 =	vadd.f32 v54, v0  }
0x6c: {  	v57 =	vld [tilespmem:$0x5B80]  }
0x6d: {  	v0 =	vadd.f32 v55, v0  }
0x6e: {  	v58 =	vld [tilespmem:$0x5C00]  }
0x6f: {  	v0 =	vadd.f32 v56, v0  }
0x70: {  	v59 =	vld [tilespmem:$0x5C80]  }
0x71: {  	v0 =	vadd.f32 v57, v0  }
0x72: {  	v60 =	vld [tilespmem:$0x5D00]  }
0x73: {  	v0 =	vadd.f32 v58, v0  }
0x74: {  	v61 =	vld [tilespmem:$0x5D80]  }
0x75: {  	v0 =	vadd.f32 v59, v0  }
0x76: {  	v62 =	vld [tilespmem:$0x5E00]  }
0x77: {  	v0 =	vadd.f32 v60, v0;
	_ =	sdelay $0x1  }
0x78: {  	v0 =	vadd.f32 v61, v0;
	_ =	sdelay $0x1  }
0x79: {  	v0 =	vadd.f32 v62, v0;
	_ =	sdelay $0x1  }
0x7a: {  	(v2sf) =	vpush v0, $0x0  }
0x7b: {  	(v2sf) =	vpush v0, $0x1;
	_ =	sdelay $0x1  }
0x7c: {  	(v2sf) =	vpush v0, $0x2;
	_ =	sdelay $0x1  }
0x7d: {  	(v2sf) =	vpush v0, $0x3;
	_ =	sdelay $0x1  }
0x7e: {  	(v2sf) =	vpush v0, $0x4;
	_ =	sdelay $0x1  }
0x7f: {  	(v2sf) =	vpush v0, $0x5;
	_ =	sdelay $0x1  }
0x80: {  	(v2sf) =	vpush v0, $0x6;
	_ =	sdelay $0x1  }
0x81: {  	(v2sf) =	vpush v0, $0x7;
	_ =	sdelay $0x1  }
0x82: {  	s15 =	spop (v2sf);
	(v2sf) =	vpush v0, $0x8  }
0x83: {  	s16 =	spop (v2sf)  }
0x84: {  	(v2sf) =	vpush v0, $0x9;
	s2 =	sadd.f32 s16, s15  }
0x85: {  	s17 =	spop (v2sf)  }
0x86: {  	(v2sf) =	vpush v0, $0xA;
	s2 =	sadd.f32 s2, s17  }
0x87: {  	s18 =	spop (v2sf)  }
0x88: {  	(v2sf) =	vpush v0, $0xB;
	s2 =	sadd.f32 s2, s18  }
0x89: {  	s19 =	spop (v2sf)  }
0x8a: {  	(v2sf) =	vpush v0, $0xC;
	s2 =	sadd.f32 s2, s19  }
0x8b: {  	s20 =	spop (v2sf)  }
0x8c: {  	(v2sf) =	vpush v0, $0xD;
	s2 =	sadd.f32 s2, s20  }
0x8d: {  	s21 =	spop (v2sf)  }
0x8e: {  	(v2sf) =	vpush v0, $0xE;
	s2 =	sadd.f32 s2, s21  }
0x8f: {  	s22 =	spop (v2sf)  }
0x90: {  	(v2sf) =	vpush v0, $0xF;
	s2 =	sadd.f32 s2, s22  }
0x91: {  	s23 =	spop (v2sf)  }
0x92: {  	s2 =	sadd.f32 s2, s23  }
0x93: {  	s24 =	spop (v2sf)  }
0x94: {  	s2 =	sadd.f32 s2, s24  }
0x95: {  	s25 =	spop (v2sf)  }
0x96: {  	s2 =	sadd.f32 s2, s25  }
0x97: {  	s26 =	spop (v2sf)  }
0x98: {  	s2 =	sadd.f32 s2, s26  }
0x99: {  	s28 =	spop (v2sf)  }
0x9a: {  	s2 =	sadd.f32 s2, s28  }
0x9b: {  	s29 =	spop (v2sf)  }
0x9c: {  	s2 =	sadd.f32 s2, s29  }
0x9d: {  	s30 =	spop (v2sf)  }
0x9e: {  	s2 =	sadd.f32 s2, s30  }
0x9f: {  	s31 =	spop (v2sf)  }
0xa0: {  	s2 =	sadd.f32 s2, s31;
	_ =	sdelay $0x1  }
0xa1: {  	v63 =	vmov s2  }
0xa2: {  	[tilespmem:$0x5600] =	vst v63  }
0xa3: {  	[hbm4b:s1+s4] =	stream.linear.scatter [tilespmem:s6], [sflag:$0x3], $0x1, $0x38;
	[tilespmem:$0x5E80] =	vst v63  }
0xa4: {  	_ =	swait.ge [sflag:s5], $0x1  }
0xa5: {  	[sflag:s5] =	ssyncset.done $0x0  }
0xa6: {  	[sflag:s5] =	ssyncadd.s32 $0xFFFFFFFF  }
0xa7: {  	_ =	sfence.sel $0x180000  }
0xa8: {  	[bflag:$0x0] =	sbarrier.arrive $0xFFFF  }
0xa9: {  	_ =	strace $0x90000047  }
0xaa: {  	s0 =	sadd.s32 $0x100000, s0;
	[bflag:$0x2] =	sbarrier.arrive $0xFFFF  }
0xab: {  	[sflag:s0] =	ssyncadd.tile.s32 $0x1;
	_ =	shalt  }
.Lfunc_end2:
_tile_overlayer_lowered:
.L_overlay_start_2:
0xac: {  	(tag) =	ssettag $0x2  }
0xad: {  	s0 =	rddreg [dreg:$0x0];
	s2 =	stileid.u32  }
0xae: {  	s1 =	rddreg [dreg:$0x1];
	p0 =	sne.s32 s2, $0x0  }
0xaf: {  	s3 =	rddreg [dreg:$0x2];
	[bflag:$0x3] =	sbarrier.arrive $0xFFFF;
	s2 =	simm.s32 @!p0 $0x1C03  }
0xb0: {  	[timem:s3], [sflag:s2] =	dma.local @!p0 [hbm:s0], s1  }
0xb1: {  	s0 =	simm.s32 @!p0 $0x3  }
0xb2: {  	_ =	swait.ge @!p0 [sflag:s0], s1  }
0xb3: {  	s1 =	ssub.s32 @!p0 $0x0, s1;
	[sflag:s0] =	ssyncset.done @!p0 $0x0  }
0xb4: {  	[sflag:s0] =	ssyncadd.s32 @!p0 s1  }
0xb5: {  	[bflag:$0x3] =	sbarrier.arrive $0xFFFF  }
0xb6: {  	_ =	shalt  }

</sc_bundles>
